<compile_context>
chip_gen: v7x
topology: tpu7x:2x2x1
jax: 0.10.2.dev20260603
libtpu: 0.0.44.dev20260713+nightly
codegen_flags: <defaults>
</compile_context>

<pallas_src>
import jax
import jax.numpy as jnp
from jax import lax
from jax.experimental import pallas as pl
from jax.experimental.pallas import tpu as pltpu
from jax.experimental.pallas import tpu_sc as plsc

B, E, D, N = 16, 16000, 128, 1000
BE = 3200
NCHUNK = 8
CHUNK_W = (N // NCHUNK) * N
ZPAD = 125008
WIN = 2000
BF = jnp.bfloat16


def _mlp_body(ea_ref, ei_ref, w0t_ref, b0_ref, w1t_ref, b1_ref, wot_ref,
              bo_ref, hv_ref, gidx_ref):
    xt = ea_ref[0].T
    h = jnp.dot(w0t_ref[...].astype(BF), xt.astype(BF),
                preferred_element_type=jnp.float32) + b0_ref[...]
    h = h * jax.nn.sigmoid(h)
    h = jnp.dot(w1t_ref[...].astype(BF), h.astype(BF),
                preferred_element_type=jnp.float32) + b1_ref[...]
    h = h * jax.nn.sigmoid(h)
    logit = jnp.dot(wot_ref[...].astype(BF), h.astype(BF),
                    preferred_element_type=jnp.float32) + bo_ref[0, 0]
    hv_ref[0] = 5.0 * jax.nn.sigmoid(logit)
    ei = ei_ref[0]
    b = pl.program_id(0)
    gidx_ref[0] = ei[0:1, :] * N + ei[1:2, :] + b * (N * N)


def _mlp(edge_attr, edge_index, W0, b0, W1, b1, W_out, b_out):
    return pl.pallas_call(
        _mlp_body,
        grid=(B, E // BE),
        in_specs=[
            pl.BlockSpec((1, BE, D), lambda b, e: (b, e, 0)),
            pl.BlockSpec((1, 2, BE), lambda b, e: (b, 0, e)),
            pl.BlockSpec((D, D), lambda b, e: (0, 0)),
            pl.BlockSpec((D, 1), lambda b, e: (0, 0)),
            pl.BlockSpec((D, D), lambda b, e: (0, 0)),
            pl.BlockSpec((D, 1), lambda b, e: (0, 0)),
            pl.BlockSpec((1, D), lambda b, e: (0, 0)),
            pl.BlockSpec((1, 1), lambda b, e: (0, 0)),
        ],
        out_specs=[
            pl.BlockSpec((1, 1, BE), lambda b, e: (b, 0, e)),
            pl.BlockSpec((1, 1, BE), lambda b, e: (b, 0, e)),
        ],
        out_shape=[
            jax.ShapeDtypeStruct((B, 1, E), jnp.float32),
            jax.ShapeDtypeStruct((B, 1, E), jnp.int32),
        ],
    )(edge_attr, edge_index, W0.T, b0.reshape(D, 1), W1.T, b1.reshape(D, 1),
      W_out.T, b_out.reshape(1, 1))


def _scatter_body(gidx_hbm, hv_hbm, out_hbm, fwin, vwin, abuf):
    wid = lax.axis_index("s") * 2 + lax.axis_index("c")

    def task(t, _):
        tid = wid * 4 + t
        b = tid // NCHUNK
        base = b * (N * N) + (tid % NCHUNK) * CHUNK_W

        @plsc.parallel_loop(0, ZPAD // 16, unroll=8)
        def zero(i):
            abuf[pl.ds(i * 16, 16)] = jnp.zeros((16,), jnp.float32)

        def win(w, _):
            pltpu.sync_copy(gidx_hbm.at[pl.ds(b * E + w * WIN, WIN)], fwin)
            pltpu.sync_copy(hv_hbm.at[pl.ds(b * E + w * WIN, WIN)], vwin)

            def vr(i, _):
                f = fwin[pl.ds(i * 16, 16)]
                v = vwin[pl.ds(i * 16, 16)]
                local = f - base
                m = (local >= 0) & (local < CHUNK_W)
                prior = plsc.load_gather(abuf, [local], mask=m)
                blend = m & (prior != 0.0)
                nv = jnp.where(blend, (prior + v) * 0.5, v)
                plsc.store_scatter(abuf, [local], nv, mask=m)
                return 0

            lax.fori_loop(0, WIN // 16, vr, 0)
            return 0

        lax.fori_loop(0, E // WIN, win, 0)
        pltpu.sync_copy(abuf.at[pl.ds(0, CHUNK_W)],
                        out_hbm.at[pl.ds(base, CHUNK_W)])
        return 0

    lax.fori_loop(0, (B * NCHUNK) // 32, task, 0)


def _scatter(gidx, hvals):
    mesh = plsc.VectorSubcoreMesh(core_axis_name="c", subcore_axis_name="s")
    f = pl.kernel(
        _scatter_body,
        out_type=jax.ShapeDtypeStruct((B * N * N,), jnp.float32),
        mesh=mesh,
        compiler_params=pltpu.CompilerParams(needs_layout_passes=False),
        scratch_types=[
            pltpu.VMEM((WIN,), jnp.int32),
            pltpu.VMEM((WIN,), jnp.float32),
            pltpu.VMEM((ZPAD,), jnp.float32),
        ],
    )
    return f(gidx, hvals)


def _sym_body(a_ref, at_ref, o_ref):
    o_ref[0] = a_ref[0] + at_ref[0].T


def _sym(a):
    return pl.pallas_call(
        _sym_body,
        grid=(B,),
        in_specs=[
            pl.BlockSpec((1, N, N), lambda b: (b, 0, 0)),
            pl.BlockSpec((1, N, N), lambda b: (b, 0, 0)),
        ],
        out_specs=pl.BlockSpec((1, N, N), lambda b: (b, 0, 0)),
        out_shape=jax.ShapeDtypeStruct((B, N, N), jnp.float32),
    )(a, a)


@jax.jit
def kernel(edge_attr, edge_index, W0, b0, W1, b1, W_out, b_out):
    ei = edge_index.astype(jnp.int32)
    hvals, gidx = _mlp(edge_attr, ei, W0, b0, W1, b1, W_out, b_out)
    a = _scatter(gidx.reshape(B * E), hvals.reshape(B * E)).reshape(B, N, N)
    return _sym(a)

# --- scband reference (transcript-rebuilt; emitter-appended) ---
"""Pipeline reference for scband-non-autoregressive-decoder-6167573037182 (READ-ONLY COPY).

The authoritative reference and input builder live on the scoring server;
editing this copy changes nothing except your own understanding.
"""

import jax, jax.numpy as jnp
import numpy as np

B, E, D, N = 16, 16000, 128, 1000

def setup_inputs(seed: int = 0) -> dict:
    key = jax.random.key(seed)
    ks = jax.random.split(key, 8)
    inp = {}
    inp['edge_attr'] = jax.random.normal(ks[0], (B, E, D), dtype=jnp.float32)
    inp['edge_index'] = jax.random.randint(ks[1], (B, 2, E), 0, N, dtype=jnp.int64)
    inp['W0'] = jax.random.normal(ks[2], (D, D), dtype=jnp.float32) * (1.0 / np.sqrt(D))
    inp['b0'] = jax.random.normal(ks[3], (D,), dtype=jnp.float32) * 0.02
    inp['W1'] = jax.random.normal(ks[4], (D, D), dtype=jnp.float32) * (1.0 / np.sqrt(D))
    inp['b1'] = jax.random.normal(ks[5], (D,), dtype=jnp.float32) * 0.02
    inp['W_out'] = jax.random.normal(ks[6], (D, 1), dtype=jnp.float32) * (1.0 / np.sqrt(D))
    inp['b_out'] = jax.random.normal(ks[7], (1,), dtype=jnp.float32) * 0.02
    return inp

def reference(edge_attr, edge_index, W0, b0, W1, b1, W_out, b_out):
    # EdgeHeatmapGenerator MLP over edge embeddings
    h = edge_attr
    h = jax.nn.silu(h @ W0 + b0)
    h = jax.nn.silu(h @ W1 + b1)
    vals = jax.nn.sigmoid(h @ W_out + b_out) * 10.0  # [B, E, 1]
    vals = vals[..., 0]                               # [B, E]
    # _make_heatmaps: scatter-overwrite edge values into dense [B, N, N]
    src = edge_index[:, 0, :]
    dst = edge_index[:, 1, :]
    batch_idx = jnp.arange(B)[:, None]
    heat = jnp.zeros((B, N, N), dtype=edge_attr.dtype)
    heat = heat.at[batch_idx, src, dst].set(vals)
    # undirected_graph symmetrization
    heat = (heat + jnp.transpose(heat, (0, 2, 1))) * 0.5
    return heat

if __name__ == "__main__":
    import jax
    _d = setup_inputs()
    print(jax.jit(kernel)(*tuple(_d.values())))

</pallas_src>

<mosaic_0001>
#map = affine_map<(d0, d1) -> (0)>
module attributes {stable_mosaic.version = 14 : i64} {
  func.func @_scatter_body(%arg0: i32, %arg1: i32, %arg2: memref<256000xi32, #tpu.memory_space<hbm>>, %arg3: memref<256000xf32, #tpu.memory_space<hbm>>, %arg4: memref<16000000xf32, #tpu.memory_space<hbm>>, %arg5: memref<2000xi32, #tpu.memory_space<vmem>>, %arg6: memref<2000xf32, #tpu.memory_space<vmem>>, %arg7: memref<125008xf32, #tpu.memory_space<vmem>>) attributes {dimension_semantics = [#tpu.dimension_semantics<core_parallel>, #tpu.dimension_semantics<subcore_parallel>], iteration_bounds = array<i64: 2, 16>, scalar_prefetch = 0 : i64, scratch_operands = 3 : i64, tpu.core_type = #tpu.core_type<sc_vector_subcore>, window_params = [{transform_indices = #map}, {transform_indices = #map}, {transform_indices = #map}]} {
    %mul3A = arith.constant 2 : i32
    %mul3A_0 = arith.muli %arg1, %mul3A : i32
    %add3A = arith.addi %mul3A_0, %arg0 : i32
    %scan3A = arith.constant 0 : i32
    %scan3A_1 = arith.constant 0 : i32
    %scan3A_2 = arith.constant 4 : i32
    %scan3A_3 = arith.addi %scan3A_1, %scan3A_2 : i32
    %scan3A_4 = arith.constant 1 : i32
    %scan3A_5 = scf.for %scan3A_7 = %scan3A_1 to %scan3A_3 step %scan3A_4 iter_args(%scan3A_8 = %scan3A) -> (i32)  : i32 {
      %mul3A_9 = arith.constant 4 : i32
      %mul3A_10 = arith.muli %add3A, %mul3A_9 : i32
      %add3A_11 = arith.addi %mul3A_10, %scan3A_7 : i32
      %jit3A = arith.constant 8 : i32
      %div3A = arith.divsi %add3A_11, %jit3A : i32
      %sign3A = arith.constant 0 : i32
      %sign3A_12 = arith.cmpi sgt, %add3A_11, %sign3A : i32
      %sign3A_13 = arith.extui %sign3A_12 : i1 to i32
      %sign3A_14 = arith.constant 0 : i32
      %sign3A_15 = arith.cmpi slt, %add3A_11, %sign3A_14 : i32
      %sign3A_16 = arith.extui %sign3A_15 : i1 to i32
      %sign3A_17 = arith.subi %sign3A_13, %sign3A_16 : i32
      %sign3A_18 = arith.constant 0 : i32
      %sign3A_19 = arith.cmpi sgt, %jit3A, %sign3A_18 : i32
      %sign3A_20 = arith.extui %sign3A_19 : i1 to i32
      %sign3A_21 = arith.constant 0 : i32
      %sign3A_22 = arith.cmpi slt, %jit3A, %sign3A_21 : i32
      %sign3A_23 = arith.extui %sign3A_22 : i1 to i32
      %sign3A_24 = arith.subi %sign3A_20, %sign3A_23 : i32
      %ne3A = arith.cmpi ne, %sign3A_17, %sign3A_24 : i32
      %rem3A = arith.remsi %add3A_11, %jit3A : i32
      %ne3A_25 = arith.constant 0 : i32
      %ne3A_26 = arith.cmpi ne, %rem3A, %ne3A_25 : i32
      %and3A = arith.andi %ne3A, %ne3A_26 : i1
      %sub3A = arith.constant 1 : i32
      %sub3A_27 = arith.subi %div3A, %sub3A : i32
      %select_n3A = arith.select %and3A, %sub3A_27, %div3A : i32
      %mul3A_28 = arith.constant 1000000 : i32
      %mul3A_29 = arith.muli %select_n3A, %mul3A_28 : i32
      %jit3A_30 = arith.constant 8 : i32
      %eq3A = arith.constant 0 : i32
      %eq3A_31 = arith.cmpi eq, %jit3A_30, %eq3A : i32
      %jit3A_32 = arith.constant 1 : i32
      %select_n3A_33 = arith.select %eq3A_31, %jit3A_32, %jit3A_30 : i32
      %rem3A_34 = arith.remsi %add3A_11, %select_n3A_33 : i32
      %ne3A_35 = arith.constant 0 : i32
      %ne3A_36 = arith.cmpi ne, %rem3A_34, %ne3A_35 : i32
      %lt3A = arith.constant 0 : i32
      %lt3A_37 = arith.cmpi slt, %rem3A_34, %lt3A : i32
      %lt3A_38 = arith.constant 0 : i32
      %lt3A_39 = arith.cmpi slt, %select_n3A_33, %lt3A_38 : i32
      %ne3A_40 = arith.xori %lt3A_37, %lt3A_39 : i1
      %and3A_41 = arith.andi %ne3A_40, %ne3A_36 : i1
      %add3A_42 = arith.addi %rem3A_34, %select_n3A_33 : i32
      %select_n3A_43 = arith.select %and3A_41, %add3A_42, %rem3A_34 : i32
      %mul3A_44 = arith.constant 125000 : i32
      %mul3A_45 = arith.muli %select_n3A_43, %mul3A_44 : i32
      %add3A_46 = arith.addi %mul3A_29, %mul3A_45 : i32
      %parallel_loop3A = arith.constant 0 : i32
      %parallel_loop3A_47 = arith.constant 7813 : i32
      %parallel_loop3A_48 = arith.constant 1 : i32
      scf.for %parallel_loop3A_57 = %parallel_loop3A to %parallel_loop3A_47 step %parallel_loop3A_48  : i32 {
        %parallel_loop3A_58 = arith.constant 0.000000e+00 : f32
        %parallel_loop3A_59 = vector.broadcast %parallel_loop3A_58 : f32 to vector<16xf32>
        %parallel_loop3A_60 = arith.constant 16 : i32
        %parallel_loop3A_61 = arith.muli %parallel_loop3A_57, %parallel_loop3A_60 : i32
        %parallel_loop3A_62 = arith.index_cast %parallel_loop3A_61 : i32 to index
        %parallel_loop3A_63 = tpu.vector_load %arg7[%parallel_loop3A_62] {strides = array<i32>} : memref<125008xf32, #tpu.memory_space<vmem>>, vector<16xf32>,
        tpu.vector_store %arg7[%parallel_loop3A_62], %parallel_loop3A_59 {strides = array<i32>} : memref<125008xf32, #tpu.memory_space<vmem>>, vector<16xf32>,
      } {sc.loop_unroll_factor = 8 : i64, sc.parallel_access}
      %scan3A_49 = arith.constant 0 : i32
      %scan3A_50 = arith.constant 0 : i32
      %scan3A_51 = arith.constant 8 : i32
      %scan3A_52 = arith.addi %scan3A_50, %scan3A_51 : i32
      %scan3A_53 = arith.constant 1 : i32
      %scan3A_54 = scf.for %scan3A_57 = %scan3A_50 to %scan3A_52 step %scan3A_53 iter_args(%scan3A_58 = %scan3A_49) -> (i32)  : i32 {
        %mul3A_59 = arith.constant 16000 : i32
        %mul3A_60 = arith.muli %select_n3A, %mul3A_59 : i32
        %mul3A_61 = arith.constant 2000 : i32
        %mul3A_62 = arith.muli %scan3A_57, %mul3A_61 : i32
        %add3A_63 = arith.addi %mul3A_60, %mul3A_62 : i32
        "tpu.region"() ({
          %run_scoped3A = tpu.sem_alloc : memref<!tpu.dma_semaphore, #tpu.memory_space<semaphore_mem>>
          %dma_start3A = tpu.memref_slice %arg2[%add3A_63] : memref<256000xi32, #tpu.memory_space<hbm>> -> memref<2000xi32, #tpu.memory_space<hbm>>
          %dma_start3A_77 = tpu.memref_slice %arg2[%add3A_63] : memref<256000xi32, #tpu.memory_space<hbm>> -> memref<2000xi32, #tpu.memory_space<hbm>>
          tpu.enqueue_dma source(%dma_start3A_77 : memref<2000xi32, #tpu.memory_space<hbm>>) target(%arg5 : memref<2000xi32, #tpu.memory_space<vmem>>) target_semaphore(%run_scoped3A : memref<!tpu.dma_semaphore, #tpu.memory_space<semaphore_mem>>)
          %dma_wait3A = tpu.memref_slice %arg2[%add3A_63] : memref<256000xi32, #tpu.memory_space<hbm>> -> memref<2000xi32, #tpu.memory_space<hbm>>
          %dma_wait3A_78 = tpu.memref_slice %arg2[%add3A_63] : memref<256000xi32, #tpu.memory_space<hbm>> -> memref<2000xi32, #tpu.memory_space<hbm>>
          tpu.wait_dma2 semaphore(%run_scoped3A : memref<!tpu.dma_semaphore, #tpu.memory_space<semaphore_mem>>) src(%dma_wait3A_78 : memref<2000xi32, #tpu.memory_space<hbm>>) dst(%arg5 : memref<2000xi32, #tpu.memory_space<vmem>>)
          tpu.yield
        }) : () -> ()
        %mul3A_64 = arith.constant 16000 : i32
        %mul3A_65 = arith.muli %select_n3A, %mul3A_64 : i32
        %mul3A_66 = arith.constant 2000 : i32
        %mul3A_67 = arith.muli %scan3A_57, %mul3A_66 : i32
        %add3A_68 = arith.addi %mul3A_65, %mul3A_67 : i32
        "tpu.region"() ({
          %run_scoped3A = tpu.sem_alloc : memref<!tpu.dma_semaphore, #tpu.memory_space<semaphore_mem>>
          %dma_start3A = tpu.memref_slice %arg3[%add3A_68] : memref<256000xf32, #tpu.memory_space<hbm>> -> memref<2000xf32, #tpu.memory_space<hbm>>
          %dma_start3A_77 = tpu.memref_slice %arg3[%add3A_68] : memref<256000xf32, #tpu.memory_space<hbm>> -> memref<2000xf32, #tpu.memory_space<hbm>>
          tpu.enqueue_dma source(%dma_start3A_77 : memref<2000xf32, #tpu.memory_space<hbm>>) target(%arg6 : memref<2000xf32, #tpu.memory_space<vmem>>) target_semaphore(%run_scoped3A : memref<!tpu.dma_semaphore, #tpu.memory_space<semaphore_mem>>)
          %dma_wait3A = tpu.memref_slice %arg3[%add3A_68] : memref<256000xf32, #tpu.memory_space<hbm>> -> memref<2000xf32, #tpu.memory_space<hbm>>
          %dma_wait3A_78 = tpu.memref_slice %arg3[%add3A_68] : memref<256000xf32, #tpu.memory_space<hbm>> -> memref<2000xf32, #tpu.memory_space<hbm>>
          tpu.wait_dma2 semaphore(%run_scoped3A : memref<!tpu.dma_semaphore, #tpu.memory_space<semaphore_mem>>) src(%dma_wait3A_78 : memref<2000xf32, #tpu.memory_space<hbm>>) dst(%arg6 : memref<2000xf32, #tpu.memory_space<vmem>>)
          tpu.yield
        }) : () -> ()
        %scan3A_69 = arith.constant 0 : i32
        %scan3A_70 = arith.constant 0 : i32
        %scan3A_71 = arith.constant 125 : i32
        %scan3A_72 = arith.addi %scan3A_70, %scan3A_71 : i32
        %scan3A_73 = arith.constant 1 : i32
        %scan3A_74 = scf.for %scan3A_77 = %scan3A_70 to %scan3A_72 step %scan3A_73 iter_args(%scan3A_78 = %scan3A_69) -> (i32)  : i32 {
          %mul3A_79 = arith.constant 16 : i32
          %mul3A_80 = arith.muli %scan3A_77, %mul3A_79 : i32
          %get3A = arith.index_cast %mul3A_80 : i32 to index
          %get3A_81 = tpu.vector_load %arg5[%get3A] {strides = array<i32>} : memref<2000xi32, #tpu.memory_space<vmem>>, vector<16xi32>,
          %mul3A_82 = arith.constant 16 : i32
          %mul3A_83 = arith.muli %scan3A_77, %mul3A_82 : i32
          %get3A_84 = arith.index_cast %mul3A_83 : i32 to index
          %get3A_85 = tpu.vector_load %arg6[%get3A_84] {strides = array<i32>} : memref<2000xf32, #tpu.memory_space<vmem>>, vector<16xf32>,
          %sub3A_86 = vector.broadcast %add3A_46 : i32 to vector<16xi32>
          %sub3A_87 = arith.subi %get3A_81, %sub3A_86 : vector<16xi32>
          %ge3A = arith.constant 0 : i32
          %ge3A_88 = vector.broadcast %ge3A : i32 to vector<16xi32>
          %ge3A_89 = arith.cmpi sge, %sub3A_87, %ge3A_88 : vector<16xi32>
          %lt3A_90 = arith.constant 125000 : i32
          %lt3A_91 = vector.broadcast %lt3A_90 : i32 to vector<16xi32>
          %lt3A_92 = arith.cmpi slt, %sub3A_87, %lt3A_91 : vector<16xi32>
          %and3A_93 = arith.andi %ge3A_89, %lt3A_92 : vector<16xi1>
          %gather3A = tpu.vector_load_idx %arg7[%sub3A_87] masked %and3A_93 : memref<125008xf32, #tpu.memory_space<vmem>>[vector<16xi32>], vector<16xf32>, vector<16xi1>
          %ne3A_94 = arith.constant 0.000000e+00 : f32
          %ne3A_95 = vector.broadcast %ne3A_94 : f32 to vector<16xf32>
          %ne3A_96 = arith.cmpf one, %gather3A, %ne3A_95 : vector<16xf32>
          %and3A_97 = arith.andi %and3A_93, %ne3A_96 : vector<16xi1>
          %add3A_98 = arith.addf %gather3A, %get3A_85 : vector<16xf32>
          %mul3A_99 = arith.constant 5.000000e-01 : f32
          %mul3A_100 = vector.broadcast %mul3A_99 : f32 to vector<16xf32>
          %mul3A_101 = arith.mulf %add3A_98, %mul3A_100 : vector<16xf32>
          %select_n3A_102 = arith.select %and3A_97, %mul3A_101, %get3A_85 : vector<16xi1>, vector<16xf32>
          tpu.vector_store_idx %arg7[%sub3A_87], %select_n3A_102 masked %and3A_93 : memref<125008xf32, #tpu.memory_space<vmem>>[vector<16xi32>], vector<16xf32>, vector<16xi1>
          %scan3A_103 = arith.constant 0 : i32
          scf.yield %scan3A_103 : i32
        }
        %scan3A_75 = arith.constant 125 : i32
        %scan3A_76 = arith.constant 0 : i32
        scf.yield %scan3A_76 : i32
      }
      %scan3A_55 = arith.constant 8 : i32
      "tpu.region"() ({
        %run_scoped3A = tpu.sem_alloc : memref<!tpu.dma_semaphore, #tpu.memory_space<semaphore_mem>>
        %dma_start3A = arith.constant 0 : i32
        %dma_start3A_57 = tpu.memref_slice %arg7[%dma_start3A] : memref<125008xf32, #tpu.memory_space<vmem>> -> memref<125000xf32, #tpu.memory_space<vmem>>
        %dma_start3A_58 = tpu.memref_slice %arg4[%add3A_46] : memref<16000000xf32, #tpu.memory_space<hbm>> -> memref<125000xf32, #tpu.memory_space<hbm>>
        %dma_start3A_59 = tpu.memref_slice %arg4[%add3A_46] : memref<16000000xf32, #tpu.memory_space<hbm>> -> memref<125000xf32, #tpu.memory_space<hbm>>
        %dma_start3A_60 = arith.constant 0 : i32
        %dma_start3A_61 = tpu.memref_slice %arg7[%dma_start3A_60] : memref<125008xf32, #tpu.memory_space<vmem>> -> memref<125000xf32, #tpu.memory_space<vmem>>
        tpu.enqueue_dma source(%dma_start3A_61 : memref<125000xf32, #tpu.memory_space<vmem>>) target(%dma_start3A_59 : memref<125000xf32, #tpu.memory_space<hbm>>) target_semaphore(%run_scoped3A : memref<!tpu.dma_semaphore, #tpu.memory_space<semaphore_mem>>)
        %dma_wait3A = arith.constant 0 : i32
        %dma_wait3A_62 = tpu.memref_slice %arg7[%dma_wait3A] : memref<125008xf32, #tpu.memory_space<vmem>> -> memref<125000xf32, #tpu.memory_space<vmem>>
        %dma_wait3A_63 = tpu.memref_slice %arg4[%add3A_46] : memref<16000000xf32, #tpu.memory_space<hbm>> -> memref<125000xf32, #tpu.memory_space<hbm>>
        %dma_wait3A_64 = tpu.memref_slice %arg4[%add3A_46] : memref<16000000xf32, #tpu.memory_space<hbm>> -> memref<125000xf32, #tpu.memory_space<hbm>>
        %dma_wait3A_65 = arith.constant 0 : i32
        %dma_wait3A_66 = tpu.memref_slice %arg7[%dma_wait3A_65] : memref<125008xf32, #tpu.memory_space<vmem>> -> memref<125000xf32, #tpu.memory_space<vmem>>
        tpu.wait_dma2 semaphore(%run_scoped3A : memref<!tpu.dma_semaphore, #tpu.memory_space<semaphore_mem>>) src(%dma_wait3A_66 : memref<125000xf32, #tpu.memory_space<vmem>>) dst(%dma_wait3A_64 : memref<125000xf32, #tpu.memory_space<hbm>>)
        tpu.yield
      }) : () -> ()
      %scan3A_56 = arith.constant 0 : i32
      scf.yield %scan3A_56 : i32
    }
    %scan3A_6 = arith.constant 4 : i32
    return
  }
}

module attributes {stable_mosaic.version = 14 : i64} {
  func.func @_mlp_body(%arg0: i32, %arg1: i32, %arg2: memref<1x3200x128xf32, #tpu.memory_space<vmem>>, %arg3: memref<1x2x3200xi32, #tpu.memory_space<vmem>>, %arg4: memref<128x128xf32, #tpu.memory_space<vmem>>, %arg5: memref<128x1xf32, #tpu.memory_space<vmem>>, %arg6: memref<128x128xf32, #tpu.memory_space<vmem>>, %arg7: memref<128x1xf32, #tpu.memory_space<vmem>>, %arg8: memref<1x128xf32, #tpu.memory_space<vmem>>, %arg9: memref<1x1xf32, #tpu.memory_space<vmem>>, %arg10: memref<1x1x3200xf32, #tpu.memory_space<vmem>>, %arg11: memref<1x1x3200xi32, #tpu.memory_space<vmem>>) attributes {dimension_semantics = [#tpu.dimension_semantics<arbitrary>, #tpu.dimension_semantics<arbitrary>], iteration_bounds = array<i64: 16, 5>, scalar_prefetch = 0 : i64, scratch_operands = 0 : i64, tpu.core_type = #tpu.core_type<tc>, window_params = [{transform_indices = @transform_0, window_bounds = array<i64: 1, 3200, 128>}, {transform_indices = @transform_1, window_bounds = array<i64: 1, 2, 3200>}, {pipeline_mode = #tpu.pipeline_mode<synchronous>, transform_indices = @transform_2, window_bounds = array<i64: 128, 128>}, {pipeline_mode = #tpu.pipeline_mode<synchronous>, transform_indices = @transform_3, window_bounds = array<i64: 128, 1>}, {pipeline_mode = #tpu.pipeline_mode<synchronous>, transform_indices = @transform_4, window_bounds = array<i64: 128, 128>}, {pipeline_mode = #tpu.pipeline_mode<synchronous>, transform_indices = @transform_5, window_bounds = array<i64: 128, 1>}, {pipeline_mode = #tpu.pipeline_mode<synchronous>, transform_indices = @transform_6, window_bounds = array<i64: 1, 128>}, {pipeline_mode = #tpu.pipeline_mode<synchronous>, transform_indices = @transform_7, window_bounds = array<i64: 1, 1>}, {transform_indices = @transform_8, window_bounds = array<i64: 1, 1, 3200>}, {transform_indices = @transform_9, window_bounds = array<i64: 1, 1, 3200>}]} {
    %get3A = arith.constant 0 : index
    %get3A_0 = arith.constant 0 : index
    %get3A_1 = arith.constant 0 : index
    %get3A_2 = vector.load %arg2[%get3A, %get3A_0, %get3A_1] : memref<1x3200x128xf32, #tpu.memory_space<vmem>>, vector<1x3200x128xf32>
    %get3A_3 = vector.shape_cast %get3A_2 : vector<1x3200x128xf32> to vector<3200x128xf32>
    %transpose3A = tpu.transpose %get3A_3, [1, 0] : vector<3200x128xf32> -> vector<128x3200xf32>
    %get3A_4 = arith.constant 0 : index
    %get3A_5 = arith.constant 0 : index
    %get3A_6 = vector.load %arg4[%get3A_4, %get3A_5] : memref<128x128xf32, #tpu.memory_space<vmem>>, vector<128x128xf32>
    %convert_element_type3A = arith.truncf %get3A_6 : vector<128x128xf32> to vector<128x128xbf16>
    %convert_element_type3A_7 = arith.truncf %transpose3A : vector<128x3200xf32> to vector<128x3200xbf16>
    %dot_general3A = arith.constant dense<0.000000e+00> : vector<128x3200xf32>
    %dot_general3A_8 = tpu.matmul %convert_element_type3A, %convert_element_type3A_7, %dot_general3A {dimension_numbers = #tpu.dot_dimension_numbers<[1], [0], [0], [1], [0, 0, 1, 1], [], []>, transpose_lhs_hint = false} : vector<128x128xbf16>, vector<128x3200xbf16>, vector<128x3200xf32> -> vector<128x3200xf32>
    %get3A_9 = arith.constant 0 : index
    %get3A_10 = arith.constant 0 : index
    %get3A_11 = vector.load %arg5[%get3A_9, %get3A_10] : memref<128x1xf32, #tpu.memory_space<vmem>>, vector<128x1xf32>
    %add3A = vector.broadcast %get3A_11 : vector<128x1xf32> to vector<128x3200xf32>
    %add3A_12 = arith.addf %dot_general3A_8, %add3A : vector<128x3200xf32>
    %logistic3A = arith.negf %add3A_12 : vector<128x3200xf32>
    %logistic3A_13 = math.exp %logistic3A : vector<128x3200xf32>
    %logistic3A_14 = arith.constant 1.000000e+00 : f32
    %logistic3A_15 = vector.broadcast %logistic3A_14 : f32 to vector<128x3200xf32>
    %logistic3A_16 = arith.addf %logistic3A_15, %logistic3A_13 : vector<128x3200xf32>
    %logistic3A_17 = arith.divf %logistic3A_15, %logistic3A_16 : vector<128x3200xf32>
    %mul3A = arith.mulf %add3A_12, %logistic3A_17 : vector<128x3200xf32>
    %get3A_18 = arith.constant 0 : index
    %get3A_19 = arith.constant 0 : index
    %get3A_20 = vector.load %arg6[%get3A_18, %get3A_19] : memref<128x128xf32, #tpu.memory_space<vmem>>, vector<128x128xf32>
    %convert_element_type3A_21 = arith.truncf %get3A_20 : vector<128x128xf32> to vector<128x128xbf16>
    %convert_element_type3A_22 = arith.truncf %mul3A : vector<128x3200xf32> to vector<128x3200xbf16>
    %dot_general3A_23 = arith.constant dense<0.000000e+00> : vector<128x3200xf32>
    %dot_general3A_24 = tpu.matmul %convert_element_type3A_21, %convert_element_type3A_22, %dot_general3A_23 {dimension_numbers = #tpu.dot_dimension_numbers<[1], [0], [0], [1], [0, 0, 1, 1], [], []>, transpose_lhs_hint = false} : vector<128x128xbf16>, vector<128x3200xbf16>, vector<128x3200xf32> -> vector<128x3200xf32>
    %get3A_25 = arith.constant 0 : index
    %get3A_26 = arith.constant 0 : index
    %get3A_27 = vector.load %arg7[%get3A_25, %get3A_26] : memref<128x1xf32, #tpu.memory_space<vmem>>, vector<128x1xf32>
    %add3A_28 = vector.broadcast %get3A_27 : vector<128x1xf32> to vector<128x3200xf32>
    %add3A_29 = arith.addf %dot_general3A_24, %add3A_28 : vector<128x3200xf32>
    %logistic3A_30 = arith.negf %add3A_29 : vector<128x3200xf32>
    %logistic3A_31 = math.exp %logistic3A_30 : vector<128x3200xf32>
    %logistic3A_32 = arith.constant 1.000000e+00 : f32
    %logistic3A_33 = vector.broadcast %logistic3A_32 : f32 to vector<128x3200xf32>
    %logistic3A_34 = arith.addf %logistic3A_33, %logistic3A_31 : vector<128x3200xf32>
    %logistic3A_35 = arith.divf %logistic3A_33, %logistic3A_34 : vector<128x3200xf32>
    %mul3A_36 = arith.mulf %add3A_29, %logistic3A_35 : vector<128x3200xf32>
    %get3A_37 = arith.constant 0 : index
    %get3A_38 = arith.constant 0 : index
    %get3A_39 = vector.load %arg8[%get3A_37, %get3A_38] : memref<1x128xf32, #tpu.memory_space<vmem>>, vector<1x128xf32>
    %convert_element_type3A_40 = arith.truncf %get3A_39 : vector<1x128xf32> to vector<1x128xbf16>
    %convert_element_type3A_41 = arith.truncf %mul3A_36 : vector<128x3200xf32> to vector<128x3200xbf16>
    %dot_general3A_42 = arith.constant dense<0.000000e+00> : vector<1x3200xf32>
    %dot_general3A_43 = tpu.matmul %convert_element_type3A_40, %convert_element_type3A_41, %dot_general3A_42 {dimension_numbers = #tpu.dot_dimension_numbers<[1], [0], [0], [1], [0, 0, 1, 1], [], []>, transpose_lhs_hint = false} : vector<1x128xbf16>, vector<128x3200xbf16>, vector<1x3200xf32> -> vector<1x3200xf32>
    %get3A_44 = arith.constant 0 : index
    %get3A_45 = arith.constant 0 : index
    %get3A_46 = vector.load %arg9[%get3A_44, %get3A_45] : memref<1x1xf32, #tpu.memory_space<vmem>>, vector<1x1xf32>
    %get3A_47 = vector.extract %get3A_46[0, 0] : f32 from vector<1x1xf32>
    %add3A_48 = vector.broadcast %get3A_47 : f32 to vector<1x3200xf32>
    %add3A_49 = arith.addf %dot_general3A_43, %add3A_48 : vector<1x3200xf32>
    %logistic3A_50 = arith.negf %add3A_49 : vector<1x3200xf32>
    %logistic3A_51 = math.exp %logistic3A_50 : vector<1x3200xf32>
    %logistic3A_52 = arith.constant 1.000000e+00 : f32
    %logistic3A_53 = vector.broadcast %logistic3A_52 : f32 to vector<1x3200xf32>
    %logistic3A_54 = arith.addf %logistic3A_53, %logistic3A_51 : vector<1x3200xf32>
    %logistic3A_55 = arith.divf %logistic3A_53, %logistic3A_54 : vector<1x3200xf32>
    %mul3A_56 = arith.constant 5.000000e+00 : f32
    %mul3A_57 = vector.broadcast %mul3A_56 : f32 to vector<1x3200xf32>
    %mul3A_58 = arith.mulf %mul3A_57, %logistic3A_55 : vector<1x3200xf32>
    %swap3A = arith.constant 0 : index
    %swap3A_59 = arith.constant 0 : index
    %swap3A_60 = arith.constant 0 : index
    %swap3A_61 = vector.load %arg10[%swap3A, %swap3A_59, %swap3A_60] : memref<1x1x3200xf32, #tpu.memory_space<vmem>>, vector<1x1x3200xf32>
    %swap3A_62 = vector.shape_cast %swap3A_61 : vector<1x1x3200xf32> to vector<1x3200xf32>
    %swap3A_63 = vector.shape_cast %mul3A_58 : vector<1x3200xf32> to vector<1x1x3200xf32>
    tpu.vector_store %arg10[%swap3A, %swap3A_59, %swap3A_60], %swap3A_63 {strides = array<i32>} : memref<1x1x3200xf32, #tpu.memory_space<vmem>>, vector<1x1x3200xf32>,
    %get3A_64 = arith.constant 0 : index
    %get3A_65 = arith.constant 0 : index
    %get3A_66 = arith.constant 0 : index
    %get3A_67 = vector.load %arg3[%get3A_64, %get3A_65, %get3A_66] : memref<1x2x3200xi32, #tpu.memory_space<vmem>>, vector<1x2x3200xi32>
    %get3A_68 = vector.shape_cast %get3A_67 : vector<1x2x3200xi32> to vector<2x3200xi32>
    %slice3A = vector.extract_strided_slice %get3A_68 {offsets = [0, 0], sizes = [1, 3200], strides = [1, 1]} : vector<2x3200xi32> to vector<1x3200xi32>
    %mul3A_69 = arith.constant 1000 : i32
    %mul3A_70 = vector.broadcast %mul3A_69 : i32 to vector<1x3200xi32>
    %mul3A_71 = arith.muli %slice3A, %mul3A_70 : vector<1x3200xi32>
    %slice3A_72 = vector.extract_strided_slice %get3A_68 {offsets = [1, 0], sizes = [1, 3200], strides = [1, 1]} : vector<2x3200xi32> to vector<1x3200xi32>
    %add3A_73 = arith.addi %mul3A_71, %slice3A_72 : vector<1x3200xi32>
    %mul3A_74 = arith.constant 1000000 : i32
    %mul3A_75 = arith.muli %arg0, %mul3A_74 : i32
    %add3A_76 = vector.broadcast %mul3A_75 : i32 to vector<1x3200xi32>
    %add3A_77 = arith.addi %add3A_73, %add3A_76 : vector<1x3200xi32>
    %swap3A_78 = arith.constant 0 : index
    %swap3A_79 = arith.constant 0 : index
    %swap3A_80 = arith.constant 0 : index
    %swap3A_81 = vector.load %arg11[%swap3A_78, %swap3A_79, %swap3A_80] : memref<1x1x3200xi32, #tpu.memory_space<vmem>>, vector<1x1x3200xi32>
    %swap3A_82 = vector.shape_cast %swap3A_81 : vector<1x1x3200xi32> to vector<1x3200xi32>
    %swap3A_83 = vector.shape_cast %add3A_77 : vector<1x3200xi32> to vector<1x1x3200xi32>
    tpu.vector_store %arg11[%swap3A_78, %swap3A_79, %swap3A_80], %swap3A_83 {strides = array<i32>} : memref<1x1x3200xi32, #tpu.memory_space<vmem>>, vector<1x1x3200xi32>,
    return
  }
  func.func @transform_0(%arg0: i32, %arg1: i32) -> (i32, i32, i32) {
    %c0_i32 = arith.constant 0 : i32
    %c0_i32_0 = arith.constant 0 : i32
    return %arg0, %arg1, %c0_i32 : i32, i32, i32
  }
  func.func @transform_1(%arg0: i32, %arg1: i32) -> (i32, i32, i32) {
    %c0_i32 = arith.constant 0 : i32
    %c0_i32_0 = arith.constant 0 : i32
    return %arg0, %c0_i32, %arg1 : i32, i32, i32
  }
  func.func @transform_2(%arg0: i32, %arg1: i32) -> (i32, i32) {
    %c0_i32 = arith.constant 0 : i32
    %c0_i32_0 = arith.constant 0 : i32
    %c0_i32_1 = arith.constant 0 : i32
    return %c0_i32, %c0_i32_0 : i32, i32
  }
  func.func @transform_3(%arg0: i32, %arg1: i32) -> (i32, i32) {
    %c0_i32 = arith.constant 0 : i32
    %c0_i32_0 = arith.constant 0 : i32
    %c0_i32_1 = arith.constant 0 : i32
    return %c0_i32, %c0_i32_0 : i32, i32
  }
  func.func @transform_4(%arg0: i32, %arg1: i32) -> (i32, i32) {
    %c0_i32 = arith.constant 0 : i32
    %c0_i32_0 = arith.constant 0 : i32
    %c0_i32_1 = arith.constant 0 : i32
    return %c0_i32, %c0_i32_0 : i32, i32
  }
  func.func @transform_5(%arg0: i32, %arg1: i32) -> (i32, i32) {
    %c0_i32 = arith.constant 0 : i32
    %c0_i32_0 = arith.constant 0 : i32
    %c0_i32_1 = arith.constant 0 : i32
    return %c0_i32, %c0_i32_0 : i32, i32
  }
  func.func @transform_6(%arg0: i32, %arg1: i32) -> (i32, i32) {
    %c0_i32 = arith.constant 0 : i32
    %c0_i32_0 = arith.constant 0 : i32
    %c0_i32_1 = arith.constant 0 : i32
    return %c0_i32, %c0_i32_0 : i32, i32
  }
  func.func @transform_7(%arg0: i32, %arg1: i32) -> (i32, i32) {
    %c0_i32 = arith.constant 0 : i32
    %c0_i32_0 = arith.constant 0 : i32
    %c0_i32_1 = arith.constant 0 : i32
    return %c0_i32, %c0_i32_0 : i32, i32
  }
  func.func @transform_8(%arg0: i32, %arg1: i32) -> (i32, i32, i32) {
    %c0_i32 = arith.constant 0 : i32
    %c0_i32_0 = arith.constant 0 : i32
    return %arg0, %c0_i32, %arg1 : i32, i32, i32
  }
  func.func @transform_9(%arg0: i32, %arg1: i32) -> (i32, i32, i32) {
    %c0_i32 = arith.constant 0 : i32
    %c0_i32_0 = arith.constant 0 : i32
    return %arg0, %c0_i32, %arg1 : i32, i32, i32
  }
}

module attributes {stable_mosaic.version = 14 : i64} {
  func.func @_sym_body(%arg0: i32, %arg1: memref<1x1000x1000xf32, #tpu.memory_space<vmem>>, %arg2: memref<1x1000x1000xf32, #tpu.memory_space<vmem>>, %arg3: memref<1x1000x1000xf32, #tpu.memory_space<vmem>>) attributes {dimension_semantics = [#tpu.dimension_semantics<arbitrary>], iteration_bounds = array<i64: 16>, scalar_prefetch = 0 : i64, scratch_operands = 0 : i64, tpu.core_type = #tpu.core_type<tc>, window_params = [{transform_indices = @transform_0, window_bounds = array<i64: 1, 1000, 1000>}, {transform_indices = @transform_1, window_bounds = array<i64: 1, 1000, 1000>}, {transform_indices = @transform_2, window_bounds = array<i64: 1, 1000, 1000>}]} {
    %get3A = arith.constant 0 : index
    %get3A_0 = arith.constant 0 : index
    %get3A_1 = arith.constant 0 : index
    %get3A_2 = vector.load %arg1[%get3A, %get3A_0, %get3A_1] : memref<1x1000x1000xf32, #tpu.memory_space<vmem>>, vector<1x1000x1000xf32>
    %get3A_3 = vector.shape_cast %get3A_2 : vector<1x1000x1000xf32> to vector<1000x1000xf32>
    %get3A_4 = arith.constant 0 : index
    %get3A_5 = arith.constant 0 : index
    %get3A_6 = arith.constant 0 : index
    %get3A_7 = vector.load %arg2[%get3A_4, %get3A_5, %get3A_6] : memref<1x1000x1000xf32, #tpu.memory_space<vmem>>, vector<1x1000x1000xf32>
    %get3A_8 = vector.shape_cast %get3A_7 : vector<1x1000x1000xf32> to vector<1000x1000xf32>
    %transpose3A = tpu.transpose %get3A_8, [1, 0] : vector<1000x1000xf32> -> vector<1000x1000xf32>
    %add3A = arith.addf %get3A_3, %transpose3A : vector<1000x1000xf32>
    %swap3A = arith.constant 0 : index
    %swap3A_9 = arith.constant 0 : index
    %swap3A_10 = arith.constant 0 : index
    %swap3A_11 = vector.load %arg3[%swap3A, %swap3A_9, %swap3A_10] : memref<1x1000x1000xf32, #tpu.memory_space<vmem>>, vector<1x1000x1000xf32>
    %swap3A_12 = vector.shape_cast %swap3A_11 : vector<1x1000x1000xf32> to vector<1000x1000xf32>
    %swap3A_13 = vector.shape_cast %add3A : vector<1000x1000xf32> to vector<1x1000x1000xf32>
    tpu.vector_store %arg3[%swap3A, %swap3A_9, %swap3A_10], %swap3A_13 {strides = array<i32>} : memref<1x1000x1000xf32, #tpu.memory_space<vmem>>, vector<1x1000x1000xf32>,
    return
  }
  func.func @transform_0(%arg0: i32) -> (i32, i32, i32) {
    %c0_i32 = arith.constant 0 : i32
    %c0_i32_0 = arith.constant 0 : i32
    %c0_i32_1 = arith.constant 0 : i32
    return %arg0, %c0_i32, %c0_i32_0 : i32, i32, i32
  }
  func.func @transform_1(%arg0: i32) -> (i32, i32, i32) {
    %c0_i32 = arith.constant 0 : i32
    %c0_i32_0 = arith.constant 0 : i32
    %c0_i32_1 = arith.constant 0 : i32
    return %arg0, %c0_i32, %c0_i32_0 : i32, i32, i32
  }
  func.func @transform_2(%arg0: i32) -> (i32, i32, i32) {
    %c0_i32 = arith.constant 0 : i32
    %c0_i32_0 = arith.constant 0 : i32
    %c0_i32_1 = arith.constant 0 : i32
    return %arg0, %c0_i32, %c0_i32_0 : i32, i32, i32
  }
}

</mosaic_0001>

<sc_bundles>
// kernel: kernel.5.cloned.1.call-start
scs
__scs_entry_jumppad:
0x0: {  	(pc) =	sbr.rel $0x88, $3  }
0x1: {  	(tag) =	ssettag $0x0;
	lr =	simm.s32 $0x1  }
0x2: {  	[smem:$0x3F99] =	sst lr;
	_ =	strace $0xD0000000  }
0x3: {  	_ = 	snop  }
0x4: {  	_ = 	snop  }
0x5: {  	_ = 	snop  }
0x6: {  	_ = 	snop  }
0x7: {  	_ = 	snop  }
__scs_overlays_trampoline_lowered:
0x8: {  	[smem:$0x3FA8] =	sst s0  }
0x9: {  	[smem:$0x3FA9] =	sst s1  }
0xa: {  	[smem:$0x3FAA] =	sst s2  }
0xb: {  	[smem:$0x3FAB] =	sst s3  }
0xc: {  	[smem:$0x3FAC] =	sst s4  }
0xd: {  	[smem:$0x3FAD] =	sst s5  }
0xe: {  	[smem:$0x3FAE] =	sst s6  }
0xf: {  	[smem:$0x3FAF] =	sst s7  }
0x10: {  	[smem:$0x3FB0] =	sst s8  }
0x11: {  	[smem:$0x3FB1] =	sst s9;
	s0 =	simm.s32 @!p0 $0x0  }
0x12: {  	s1 =	sld [smem:$0x3F97];
	s0 =	simm.s32 @p0 $0x1  }
0x13: {  	[smem:$0x3FB2] =	sst s0;
	s0 =	simm.s32 @!p1 $0x0  }
0x14: {  	s2 =	sld [smem:$0x3F96];
	s0 =	simm.s32 @p1 $0x1  }
0x15: {  	[smem:$0x3FB3] =	sst s0;
	s0 =	simm.s32 @!p2 $0x0  }
0x16: {  	s3 =	sld [smem:$0x3FDB];
	s0 =	simm.s32 @p2 $0x1  }
0x17: {  	s4 =	simm.s32 $0x1BF5;
	[smem:$0x3FB5] =	sst s0  }
0x18: {  	s0 =	sld [smem:$0x3F98];
	_ =	swait.ge [sflag:s4], $0x0  }
0x19: {  	s7 =	sld [smem:$0x3F99]  }
0x1a: {  	s8 =	sadd.s32 $0xFFFFE003, lr  }
0x1b: {  	s9 =	sadd.s32 $0xFFFFFEF7, lr;
	s5 =	simm.s32 $0xFFFFFFFF;
	p2 =	slt.u32 s8, $0xFFFFF086  }
0x1c: {  	p1 =	slt.u32 s9, $0xF7A;
	s5 =	simm.s32 @!p2 $0x0  }
0x1d: {  	s5 =	simm.s32 @p1 $0x1;
	p0 =	seq.s32 s7, s2  }
0x1e: {  	s7 =	smul.u32 @!p0 $0xF7A, s2;
	p2 =	seq.s32 @!p0 s5, $0x0  }
0x1f: {  	s9 =	smul.u32 $0xF7A, s1;
	s8 =	simm.s32 @!p0 $0x1BF5;
	p2 =	por !p2, p0  }
0x20: {  	[sflag:s8] =	ssyncset.s32 @!p0 $0xFFFFF086;
	s6 =	sadd.s32 @!p0 s3, s7;
	s7 =	simm.s32 @!p0 $0x108  }
0x21: {  	s3 =	sadd.s32 s3, s9;
	s6 =	sadd.s32 @!p0 $0x88, s6;
	s7 =	simm.s32 @p2 $0x1082  }
0x22: {  	[simem:s7], [sflag:s8] =	dma.local @!p0 [hbm:s6], $0xF7A  }
0x23: {  	s9 =	sor.u32 $0xD0000000, s2;
	s6 =	simm.s32 $0x108;
	_ =	swait.ge @!p0 [sflag:s8], $0x0  }
0x24: {  	s3 =	sadd.s32 $0x88, s3;
	s6 =	simm.s32 @!p1 $0x1082;
	[sflag:s4] =	ssyncset.s32 $0xFFFFF086  }
0x25: {  	[simem:s6], [sflag:s4] =	dma.local [hbm:s3], $0xF7A  }
0x26: {  	[smem:$0x3F99] =	sst s1;
	(tag) =	ssettag s2;
	_ =	strace s9  }
0x27: {  	s1 =	sld [smem:$0x3FA9]  }
0x28: {  	s2 =	sld [smem:$0x3FAA]  }
0x29: {  	s4 =	sld [smem:$0x3FAC]  }
0x2a: {  	p0 =	seq.s32 s5, $0x0;
	s5 =	sld [smem:$0x3FAD]  }
0x2b: {  	s6 =	sld [smem:$0x3FAE]  }
0x2c: {  	s7 =	sld [smem:$0x3FAF]  }
0x2d: {  	s3 =	simm.s32 $0x108;
	s8 =	sld [smem:$0x3FB0]  }
0x2e: {  	s3 =	simm.s32 @!p0 $0x1082;
	s9 =	sld [smem:$0x3FB1]  }
0x2f: {  	lr =	sadd.s32 s0, s3;
	s0 =	sld [smem:$0x3FA8]  }
0x30: {  	s3 =	sld [smem:$0x3FAB]  }
0x31: {  	[smem:$0x3FB4] =	sst s10  }
0x32: {  	s10 =	sld [smem:$0x3FB2];
	_ =	sdelay $0x3  }
0x33: {  	p0 =	seq.s32 s10, $0x1;
	s10 =	sld [smem:$0x3FB4];
	_ =	sdelay $0x3  }
0x34: {  	[smem:$0x3FB4] =	sst s10  }
0x35: {  	s10 =	sld [smem:$0x3FB3];
	_ =	sdelay $0x3  }
0x36: {  	p1 =	seq.s32 s10, $0x1;
	s10 =	sld [smem:$0x3FB4];
	_ =	sdelay $0x3  }
0x37: {  	[smem:$0x3FB4] =	sst s10  }
0x38: {  	s10 =	sld [smem:$0x3FB5]  }
0x39: {  	_ = 	snop;
	(pc) =	sbr.ind lr, $3  }
0x3a: {  	_ = 	snop  }
0x3b: {  	_ = 	snop  }
0x3c: {  	p2 =	seq.s32 s10, $0x1;
	s10 =	sld [smem:$0x3FB4]  }
0x3d: {  	_ =	shalt  }
0x3e: {  	_ =	shalt  }
0x3f: {  	_ =	shalt  }
0x40: {  	_ =	shalt  }
0x41: {  	_ =	shalt  }
0x42: {  	_ =	shalt  }
0x43: {  	_ =	shalt  }
0x44: {  	_ =	shalt  }
0x45: {  	_ =	shalt  }
0x46: {  	_ =	shalt  }
0x47: {  	_ =	shalt  }
0x48: {  	_ =	shalt  }
0x49: {  	_ =	shalt  }
0x4a: {  	_ =	shalt  }
0x4b: {  	_ =	shalt  }
0x4c: {  	_ =	shalt  }
0x4d: {  	_ =	shalt  }
0x4e: {  	_ =	shalt  }
0x4f: {  	_ =	shalt  }
0x50: {  	_ =	shalt  }
0x51: {  	_ =	shalt  }
0x52: {  	_ =	shalt  }
0x53: {  	_ =	shalt  }
0x54: {  	_ =	shalt  }
0x55: {  	_ =	shalt  }
0x56: {  	_ =	shalt  }
0x57: {  	_ =	shalt  }
0x58: {  	_ =	shalt  }
0x59: {  	_ =	shalt  }
0x5a: {  	_ =	shalt  }
0x5b: {  	_ =	shalt  }
0x5c: {  	_ =	shalt  }
0x5d: {  	_ =	shalt  }
0x5e: {  	_ =	shalt  }
0x5f: {  	_ =	shalt  }
0x60: {  	_ =	shalt  }
0x61: {  	_ =	shalt  }
0x62: {  	_ =	shalt  }
0x63: {  	_ =	shalt  }
0x64: {  	_ =	shalt  }
0x65: {  	_ =	shalt  }
0x66: {  	_ =	shalt  }
0x67: {  	_ =	shalt  }
0x68: {  	_ =	shalt  }
0x69: {  	_ =	shalt  }
0x6a: {  	_ =	shalt  }
0x6b: {  	_ =	shalt  }
0x6c: {  	_ =	shalt  }
0x6d: {  	_ =	shalt  }
0x6e: {  	_ =	shalt  }
0x6f: {  	_ =	shalt  }
0x70: {  	_ =	shalt  }
0x71: {  	_ =	shalt  }
0x72: {  	_ =	shalt  }
0x73: {  	_ =	shalt  }
0x74: {  	_ =	shalt  }
0x75: {  	_ =	shalt  }
0x76: {  	_ =	shalt  }
0x77: {  	_ =	shalt  }
0x78: {  	_ =	shalt  }
0x79: {  	_ =	shalt  }
0x7a: {  	_ =	shalt  }
0x7b: {  	_ =	shalt  }
0x7c: {  	_ =	shalt  }
0x7d: {  	_ =	shalt  }
0x7e: {  	_ =	shalt  }
0x7f: {  	_ =	shalt  }
0x80: {  	_ =	shalt  }
0x81: {  	_ =	shalt  }
0x82: {  	_ =	shalt  }
0x83: {  	_ =	shalt  }
0x84: {  	_ =	shalt  }
0x85: {  	_ =	shalt  }
0x86: {  	_ =	shalt  }
0x87: {  	_ =	shalt  }
.Lfunc_end0:
.L_simem_size_0:
called_computation_lowered:
.L_overlay_start_0:
0x88: {  	s2 =	sld [smem:$0x3FD9]  }
0x89: {  	s3 =	sld [smem:$0x3FFE];
	_ =	sdelay $0x1  }
0x8a: {  	s1 =	srdreg.scid  }
0x8b: {  	s0 =	sand.u32 $0x1, s1  }
0x8c: {  	s17 =	sshll.u32 s0, $0xA;
	s2 =	sadd.s32 s3, s2  }
0x8d: {  	s2 =	sadd.s32 s2, s17  }
0x8e: {  	[smem:$0x3FC0] =	sst s2  }
0x8f: {  	_ = 	snop  }
0x90: {  	s2 =	sld [smem:$0x3FD0];
	(tm) =	ssettm $0x1  }
0x91: {  	s18 =	sld [smem:$0x3FFB];
	_ =	sdelay $0x3  }
0x92: {  	_ =	strace s18  }
0x93: {  	s3 =	sld [smem:$0x3FFC];
	_ =	sdelay $0x3  }
0x94: {  	_ =	strace s3  }
0x95: {  	s3 =	sld [smem:$0x3FFD];
	_ =	sdelay $0x3  }
0x96: {  	_ =	strace s3  }
0x97: {  	_ =	strace $0x8FFFFFFF  }
0x98: {  	s19 =	sld [smem:$0x3FDB];
	_ =	sdelay $0x1  }
0x99: {  	s4 =	simm.s32 $_scs_section_size  }
0x9a: {  	s5 =	simm.s32 $_size__tile_overlayer_lowered;
	s6 =	simm.s32 $_tile_overlayer_lowered  }
0x9b: {  	s22 =	simm.s32 $0x1BFF;
	s21 =	sshll.u32 s6, $0x1;
	s3 =	sadd.s32 s4, s19  }
0x9c: {  	s7 =	simm.s32 $0x0;
	s20 =	sshll.u32 s5, $0x1;
	s5 =	sadd.s32 s21, s3  }
0x9d: {  	[timem:s7], [sflag:s22] =	dma.local [hbm:s5], s20  }
0x9e: {  	_ =	swait.ge [sflag:s22], s20  }
0x9f: {  	s4 =	ssub.s32 $0x0, s20;
	[sflag:s22] =	ssyncset.done $0x0  }
0xa0: {  	[sflag:s22] =	ssyncadd.s32 s4;
	_ =	sdelay $0x1  }
0xa1: {  	s23 =	simm.s32 $0x1B8B  }
0xa2: {  	_ =	swait.ge [sflag:s23], $0x1  }
0xa3: {  	[sflag:s23] =	ssyncset.done $0x0  }
0xa4: {  	s25 =	simm.s32 $0x1B8E;
	s24 =	sld [smem:$0x3FFE];
	[sflag:s23] =	ssyncadd.s32 $0xFFFFFFFF  }
0xa5: {  	s26 =	simm.s32 $execute0_lowered;
	[smem:$0x3FD2] =	sst s25  }
0xa6: {  	s5 =	sshll.u32 s26, $0x1;
	_ =	strace $0x80000046;
	[dreg:$0x1] =	wrdreg $0xFFFFFFFF  }
0xa7: {  	s28 =	simm.s32 $_size_execute0_lowered;
	s3 =	sadd.s32 s3, s5;
	[dreg:$0x0] =	wrdreg $0x0  }
0xa8: {  	s5 =	sshll.u32 s28, $0x1;
	[dreg:$0x2] =	wrdreg s3  }
0xa9: {  	[dreg:$0x3] =	wrdreg s5  }
0xaa: {  	[dreg:$0x4] =	wrdreg $0xC0  }
0xab: {  	_ =	task [dreg:s7], $0x5FFFF  }
0xac: {  	[dreg:$0x1] =	wrdreg $0xFFFFFFFF  }
0xad: {  	[dreg:$0x0] =	wrdreg $0x60  }
0xae: {  	[dreg:$0x2] =	wrdreg s24  }
0xaf: {  	[dreg:$0x3] =	wrdreg s2  }
0xb0: {  	[dreg:$0x4] =	wrdreg $0x9  }
0xb1: {  	_ =	task.clear_ibuf [dreg:s7], $0x5FFFF;
	_ =	strace $0x90000046  }
0xb2: {  	s29 =	simm.s32 $0x9;
	_ =	strace $0x80000048  }
0xb3: {  	_ =	swait.ge [sflag:s29], $0x1  }
0xb4: {  	[sflag:s29] =	ssyncadd.s32 $0xFFFFFFFF  }
0xb5: {  	_ =	strace $0x90000048  }
0xb6: {  	_ =	sfence  }
0xb7: {  	s30 =	sld [smem:$0x0];
	_ =	sdelay $0x2  }
0xb8: {  	s31 =	sshll.u32 s1, $0xD;
	s1 =	sshrl.u32 s1, $0x2  }
0xb9: {  	s3 =	sand.u32 $0x4000, s31;
	s1 =	sadd.s32 s1, s30  }
0xba: {  	s0 =	sor.u32 s3, s0;
	s1 =	sshll.u32 s1, $0x11  }
0xbb: {  	s0 =	sor.u32 s1, s0  }
0xbc: {  	s0 =	sadd.s32 $0x8F2B, s0  }
0xbd: {  	[sflag:s0] =	ssyncadd.remote.s32 $0x1  }
0xbe: {  	_ =	sfence.sel $0xFFFF  }
0xbf: {  	[dreg:$0x0] =	wrdreg $0xFFFFFFFF;
	(pc) =	sbr.abs _section_cstart, $3  }
0xc0: {  	[dreg:$0x1] =	wrdreg $0xFFFFFFFF  }
0xc1: {  	_ =	task.clear_ibuf [dreg:s7], $0x2FFFF;
	_ =	strace $0x9FFFFFFF  }
0xc2: {  	(tm) =	ssettm $0x7FFFFFFF  }
0xc3: {  	_ =	shalt  }
tec
execute0_lowered:
.L_overlay_start_1:
0x0: {  	(tag) =	ssettag $0x1  }
0x1: {  	s3 =	rddreg [dreg:$0x0]  }
0x2: {  	s1 =	rddreg [dreg:$0x1]  }
0x3: {  	s0 =	rddreg [dreg:$0x2];
	s2 =	simm.s32 $0x0  }
0x4: {  	s4 =	srdreg.scid;
	s10 =	simm.s32 $0x1;
	s11 =	simm.s32 $0x800  }
0x5: {  	s12 =	simm.s32 $0x1000;
	s13 =	simm.s32 $0x0;
	s6 =	sand.u32 $0x1, s4  }
0x6: {  	[smem:$0x7FF] =	sst s2;
	s4 =	sadd.s32 $0xE00, s3;
	s7 =	ssub.s32 $0x2, s6  }
0x7: {  	s5 =	sadd.s32 $0x8C00, s3;
	s3 =	stileid.u32;
	s8 =	sshrl.u32 s7, $0x1  }
0x8: {  	_ =	strace $0x80000047;
	s9 =	ssub.s32 s7, s8;
	s7 =	smul.u32 $0xF4240, s3  }
0x9: {  	v0 =	vimm.f32 $0.0e+00;
	s6 =	sshll.u32 s6, $0x2;
	s8 =	smul.u32 $0x3E80, s3;
	s9 =	smax.u32 s9, $0x1  }
.LBB2_1:
0xa: {  	s14 =	simm.s32 $0x0  }
.LBB2_2:
0xb: {  	s15 =	simm.s32 $0x1040  }
0xc: {  	[tilespmem:s15+$0xFFFFFFC0] =	vst v0  }
0xd: {  	[tilespmem:s15+$0x30] =	vst v0  }
0xe: {  	[tilespmem:s15+$0x20] =	vst v0  }
0xf: {  	[tilespmem:s15+$0x10] =	vst v0  }
0x10: {  	[tilespmem:s15+$0x0] =	vst v0  }
0x11: {  	[tilespmem:s15+$0xFFFFFFF0] =	vst v0  }
0x12: {  	s16 =	simm.s32 $0x0;
	[tilespmem:s15+$0xFFFFFFE0] =	vst v0  }
.LBB2_3:
0x13: {  	s16 =	sadd.s32 $0x8, s16;
	[tilespmem:s15+$0xFFFFFFD0] =	vst v0;
	s15 =	sadd.s32 $0x80, s15  }
0x14: {  	[tilespmem:s15+$0xFFFFFFC0] =	vst v0;
	p0 =	slt.u32 s16, $0x1E78  }
0x15: {  	[tilespmem:s15+$0x30] =	vst v0  }
.Ltmp0:
0x16: {  	[tilespmem:s15+$0x20] =	vst v0;
	(pc) =	sbr.rel @p0 .LBB2_3-.Ltmp0, $4  }
0x17: {  	[tilespmem:s15+$0x10] =	vst v0  }
0x18: {  	[tilespmem:s15+$0x0] =	vst v0  }
0x19: {  	[tilespmem:s15+$0xFFFFFFF0] =	vst v0  }
0x1a: {  	[tilespmem:s15+$0xFFFFFFE0] =	vst v0  }
0x1b: {  	[tilespmem:s15+$0xFFFFFFD0] =	vst v0;
	s15 =	simm.s32 $0x0  }
.LBB2_5:
0x1c: {  	p0 =	seq.s32 s15, $0x100  }
.Ltmp1:
0x1d: {  	_ = 	snop;
	(pc) =	sbr.rel @!p0 .LBB2_5-.Ltmp1, $3  }
0x1e: {  	_ =	sdelay $0x1  }
0x1f: {  	s16 =	sshra.s32 s15, $0x2  }
0x20: {  	s15 =	sadd.s32 $0x40, s15;
	[tilespmem:s16+$0x1F800] =	vst v0  }
0x21: {  	s15 =	sadd.s32 s6, s14  }
0x22: {  	s15 =	smul.u32 $0x1E848, s15;
	_ =	sdelay $0x1  }
0x23: {  	s15 =	sadd.s32 s7, s15  }
0x24: {  	s16 =	simm.s32 $0x0;
	s17 =	simm.s32 $0x0;
	v1 =	vmov s15  }
.LBB2_7:
0x25: {  	s18 =	smul.u32 $0x7D0, s17;
	_ =	sdelay $0x1  }
0x26: {  	s18 =	sadd.s32 s8, s18  }
0x27: {  	s18 =	sshrl.u32 s18, $0x3  }
0x28: {  	s19 =	sadd.s32 s4, s18  }
0x29: {  	[tilespmem:s16], [sflag:$0x1] =	stream.linear.gather [hbm4b:s19+s16], $0x7D0, $0x38;
	[tilespmem:$0x1F880] =	vst v63  }
0x2a: {  	_ =	swait.ge [sflag:s10], $0x7D0  }
0x2b: {  	[sflag:s10] =	ssyncset.done $0x0  }
0x2c: {  	s18 =	sadd.s32 s5, s18;
	[sflag:s10] =	ssyncadd.s32 $0xFFFFF830  }
0x2d: {  	[tilespmem:s11], [sflag:$0x1] =	stream.linear.gather [hbm4b:s18+s16], $0x7D0, $0x38;
	[tilespmem:$0x1F880] =	vst v63  }
0x2e: {  	_ =	swait.ge [sflag:s10], $0x7D0  }
0x2f: {  	[sflag:s10] =	ssyncset.done $0x0  }
0x30: {  	s19 =	simm.s32 $0x0;
	s18 =	simm.s32 $0x40;
	[sflag:s10] =	ssyncadd.s32 $0xFFFFF830  }
.LBB2_8:
0x31: {  	p0 =	sne.s32 s18, $0x1F00;
	v2 =	vld [tilespmem:s19+$0x0];
	_ =	sdelay $0x4  }
0x32: {  	v2 =	vsub.s32 v2, v1  }
0x33: {  	vm0 =	vlt.u32 v2, $0x1E848;
	_ =	sdelay $0x5  }
0x34: {  	v3 =	vld.idx.msk [tilespmem:v2+s12+$0x0], vm0  }
0x35: {  	v4 =	vld [tilespmem:s19+$0x800];
	_ =	sdelay $0x4  }
0x36: {  	v5 =	vadd.f32 v3, v4  }
.Ltmp2:
0x37: {  	vm1 =	vlt.f32 v3, $0.0e+00;
	vm2 =	vgt.f32 v3, $0.0e+00;
	(pc) =	sbr.rel @p0 .LBB2_8-.Ltmp2, $4  }
0x38: {  	vm1 =	vmor vm2, vm1;
	v3 =	vmul.f32 $5.000000000e-01, v5  }
0x39: {  	vm1 =	vmand vm0, vm1  }
0x3a: {  	v3 =	vsel vm1, v3, v4  }
0x3b: {  	s19 =	sshra.s32 s18, $0x2;
	s18 =	sadd.s32 $0x40, s18;
	[tilespmem:v2+s12+$0x0] =	vst.idx.msk vm0, v3  }
0x3c: {  	v2 =	vld [tilespmem:s19+$0x0];
	_ =	sdelay $0x4  }
0x3d: {  	v2 =	vsub.s32 v2, v1  }
0x3e: {  	vm0 =	vlt.u32 v2, $0x1E848;
	_ =	sdelay $0x4  }
0x3f: {  	v4 =	vld [tilespmem:s19+$0x800]  }
0x40: {  	v3 =	vld.idx.msk [tilespmem:v2+s12+$0x0], vm0;
	_ =	sdelay $0x3  }
0x41: {  	s17 =	sadd.s32 $0x1, s17  }
0x42: {  	p0 =	sne.s32 s17, $0x8;
	v5 =	vadd.f32 v3, v4  }
.Ltmp3:
0x43: {  	vm1 =	vlt.f32 v3, $0.0e+00;
	vm2 =	vgt.f32 v3, $0.0e+00;
	(pc) =	sbr.rel @p0 .LBB2_7-.Ltmp3, $4  }
0x44: {  	vm1 =	vmor vm2, vm1;
	v3 =	vmul.f32 $5.000000000e-01, v5  }
0x45: {  	vm1 =	vmand vm0, vm1  }
0x46: {  	v3 =	vsel vm1, v3, v4  }
0x47: {  	[tilespmem:v2+s12+$0x0] =	vst.idx.msk vm0, v3  }
0x48: {  	s14 =	sadd.s32 $0x1, s14  }
0x49: {  	s15 =	sshrl.u32 s15, $0x3;
	p0 =	sne.s32 s14, $0x4  }
.Ltmp4:
0x4a: {  	s15 =	sadd.s32 s1, s15;
	(pc) =	sbr.rel @p0 .LBB2_2-.Ltmp4, $4  }
0x4b: {  	[hbm4b:s15+s2] =	stream.linear.scatter [tilespmem:s12], [sflag:$0x1], $0x1E848, $0x38;
	[tilespmem:$0x1F880] =	vst v63  }
0x4c: {  	_ =	swait.ge [sflag:s10], $0x1E848  }
0x4d: {  	[sflag:s10] =	ssyncset.done $0x0  }
0x4e: {  	[sflag:s10] =	ssyncadd.s32 $0xFFFE17B8  }
0x4f: {  	s13 =	sadd.s32 $0x1, s13  }
0x50: {  	p0 =	sne.s32 s13, s9  }
.Ltmp5:
0x51: {  	_ = 	snop;
	(pc) =	sbr.rel @p0 .LBB2_1-.Ltmp5, $1  }
0x52: {  	_ =	sdelay $0x3  }
0x53: {  	_ =	sfence.sel $0x180000  }
0x54: {  	[bflag:$0x0] =	sbarrier.arrive $0xFFFF  }
0x55: {  	p0 =	sne.s32 s3, $0x0;
	_ =	strace $0x90000047  }
0x56: {  	s0 =	sadd.s32 @!p0 $0x100000, s0;
	[bflag:$0x2] =	sbarrier.arrive $0xFFFF  }
0x57: {  	[sflag:s0] =	ssyncadd.tile.s32 @!p0 $0x1;
	_ =	shalt  }
.Lfunc_end2:
_tile_overlayer_lowered:
.L_overlay_start_2:
0x58: {  	(tag) =	ssettag $0x2  }
0x59: {  	s0 =	rddreg [dreg:$0x0];
	s2 =	stileid.u32  }
0x5a: {  	s1 =	rddreg [dreg:$0x1];
	p0 =	sne.s32 s2, $0x0  }
0x5b: {  	s3 =	rddreg [dreg:$0x2];
	[bflag:$0x3] =	sbarrier.arrive $0xFFFF;
	s2 =	simm.s32 @!p0 $0x1C01  }
0x5c: {  	[timem:s3], [sflag:s2] =	dma.local @!p0 [hbm:s0], s1  }
0x5d: {  	s0 =	simm.s32 @!p0 $0x1  }
0x5e: {  	_ =	swait.ge @!p0 [sflag:s0], s1  }
0x5f: {  	s1 =	ssub.s32 @!p0 $0x0, s1;
	[sflag:s0] =	ssyncset.done @!p0 $0x0  }
0x60: {  	[sflag:s0] =	ssyncadd.s32 @!p0 s1  }
0x61: {  	[bflag:$0x3] =	sbarrier.arrive $0xFFFF  }
0x62: {  	_ =	shalt  }

</sc_bundles>
